<compile_context>
chip_gen: v7x
topology: tpu7x:2x2x1
jax: 0.10.2.dev20260603
libtpu: 0.0.44.dev20260713+nightly
codegen_flags: <defaults>
</compile_context>

<pallas_src>
import functools

import jax
import jax.numpy as jnp
from jax import lax
from jax.experimental import pallas as pl
from jax.experimental.pallas import tpu as pltpu
from jax.experimental.pallas import tpu_sc as plsc

_LANES = 16
_LOG2E = 1.4426950408889634


def _sc_affine(x2, et2, mul_flat, bias_flat):
    R, C = x2.shape
    total = R * C
    info = plsc.get_sparse_core_info()
    nw = info.num_cores * info.num_subcores
    rows = R // nw
    chunk = rows * C
    assert rows * nw == R and chunk % _LANES == 0 and chunk % 8 == 0
    table = mul_flat.shape[0]
    mesh = plsc.VectorSubcoreMesh(core_axis_name="c", subcore_axis_name="s")

    @functools.partial(
        pl.kernel,
        mesh=mesh,
        out_type=jax.ShapeDtypeStruct((total,), jnp.float32),
        compiler_params=pltpu.CompilerParams(needs_layout_passes=False),
        scratch_types=[
            pltpu.VMEM((rows, C), jnp.int32),
            pltpu.VMEM((rows, C), jnp.float32),
            pltpu.VMEM((chunk,), jnp.float32),
            pltpu.VMEM((table,), jnp.float32),
            pltpu.VMEM((table,), jnp.float32),
        ],
    )
    def sc_run(x_hbm, et_hbm, mul_hbm, bias_hbm, out_hbm,
               idx_v, x_v, out_v, mul_v, bias_v):
        wid = lax.axis_index("s") * info.num_cores + lax.axis_index("c")
        base_r = wid * rows
        pltpu.sync_copy(et_hbm.at[pl.ds(base_r, rows)], idx_v)
        pltpu.sync_copy(x_hbm.at[pl.ds(base_r, rows)], x_v)
        pltpu.sync_copy(mul_hbm, mul_v)
        pltpu.sync_copy(bias_hbm, bias_v)
        groups_per_row = C // _LANES

        @plsc.parallel_loop(0, chunk // _LANES, 1, unroll=16)
        def _(i):
            r = i // groups_per_row
            sl = pl.ds((i % groups_per_row) * _LANES, _LANES)
            idx = idx_v[r, sl]
            m = plsc.load_gather(mul_v, [idx])
            b = plsc.load_gather(bias_v, [idx])
            out_v[pl.ds(i * _LANES, _LANES)] = m * x_v[r, sl] + b

        pltpu.sync_copy(out_v, out_hbm.at[pl.ds(wid * chunk, chunk)])

    return sc_run(x2, et2, mul_flat, bias_flat)


def _tc_rbf(xs2, means, temps, bp):
    P, Q = xs2.shape
    K = means.shape[1]

    def body(xs_ref, mean_ref, temp_ref, out_ref):
        xsb = xs_ref[...]
        m = mean_ref[...][0]
        c = jnp.abs(temp_ref[...][0]) * (-_LOG2E)
        d = xsb[:, :, None] - m[None, None, :]
        out_ref[...] = jnp.exp2(d * d * c[None, None, :])

    return pl.pallas_call(
        body,
        grid=(P // bp,),
        in_specs=[
            pl.BlockSpec((bp, Q), lambda i: (i, 0)),
            pl.BlockSpec((8, K), lambda i: (0, 0)),
            pl.BlockSpec((8, K), lambda i: (0, 0)),
        ],
        out_specs=pl.BlockSpec((bp, Q, K), lambda i: (i, 0, 0)),
        out_shape=jax.ShapeDtypeStruct((P, Q, K), jnp.float32),
    )(xs2, means, temps)


def kernel(x, edge_types, t, means, temps, mul_w, bias_w):
    B, N, _ = x.shape
    K = means.shape[1]
    total = B * N * N
    x2 = x.reshape(B * N, N)
    et2 = edge_types.reshape(B * N, N).astype(jnp.int32)
    xs = _sc_affine(x2, et2, mul_w.reshape(-1), bias_w.reshape(-1))
    out = _tc_rbf(xs.reshape(total // 128, 128), means, temps, bp=256)
    return out.reshape(B, N, N, K)

# --- scband reference (transcript-rebuilt; emitter-appended) ---
"""Pipeline reference for scband-rbf-15616501088394 (READ-ONLY COPY).

The authoritative reference and input builder live on the scoring server;
editing this copy changes nothing except your own understanding.
"""

import jax, jax.numpy as jnp
import numpy as np

B, N = 4, 256
T, K, ET = 1000, 128, 1024

def setup_inputs(seed: int = 0) -> dict:
    key = jax.random.key(seed)
    k1, k2, k3, k4, k5 = jax.random.split(key, 5)
    x = jax.random.uniform(k1, (B, N, N), dtype=jnp.float32)
    edge_types = jax.random.randint(k2, (B, N, N), 0, ET)
    t = jax.random.randint(k3, (B,), 0, T)
    # learned parameters, initialized as in the torch module
    means = jax.random.uniform(k4, (T, K), dtype=jnp.float32, minval=0.0, maxval=3.0)
    temps = jax.random.uniform(k5, (T, K), dtype=jnp.float32, minval=0.1, maxval=10.0)
    mul_w = jnp.ones((ET, 1), dtype=jnp.float32)
    bias_w = jnp.zeros((ET, 1), dtype=jnp.float32)
    return {"x": x, "edge_types": edge_types, "t": t, "means": means, "temps": temps, "mul_w": mul_w, "bias_w": bias_w}

def reference(x, edge_types, t, means, temps, mul_w, bias_w):
    # mul/bias: embedding lookup on edge types -> [B, N, N, 1]
    mul = jnp.take(mul_w, edge_types, axis=0)
    bias = jnp.take(bias_w, edge_types, axis=0)
    xs = mul * x[..., None] + bias  # [B, N, N, 1]
    # note: original module indexes with torch.zeros_like(t)
    tz = jnp.zeros_like(t)
    mean = jnp.take(means, tz, axis=0)[:, None, None, :]  # [B, 1, 1, K]
    temp = jnp.abs(jnp.take(temps, tz, axis=0))[:, None, None, :]  # [B, 1, 1, K]
    return jnp.exp(jnp.square(xs - mean) * (-temp)).astype(jnp.float32)  # [B, N, N, K]

if __name__ == "__main__":
    import jax
    _d = setup_inputs()
    print(jax.jit(kernel)(*tuple(_d.values())))

</pallas_src>

<mosaic_0001>
#map = affine_map<(d0, d1) -> (0, 0)>
#map1 = affine_map<(d0, d1) -> (0)>
module attributes {stable_mosaic.version = 14 : i64} {
  func.func @sc_run(%arg0: i32, %arg1: i32, %arg2: memref<1024x256xf32, #tpu.memory_space<hbm>>, %arg3: memref<1024x256xi32, #tpu.memory_space<hbm>>, %arg4: memref<1024xf32, #tpu.memory_space<hbm>>, %arg5: memref<1024xf32, #tpu.memory_space<hbm>>, %arg6: memref<262144xf32, #tpu.memory_space<hbm>>, %arg7: memref<32x256xi32, #tpu.memory_space<vmem>>, %arg8: memref<32x256xf32, #tpu.memory_space<vmem>>, %arg9: memref<8192xf32, #tpu.memory_space<vmem>>, %arg10: memref<1024xf32, #tpu.memory_space<vmem>>, %arg11: memref<1024xf32, #tpu.memory_space<vmem>>) attributes {dimension_semantics = [#tpu.dimension_semantics<core_parallel>, #tpu.dimension_semantics<subcore_parallel>], iteration_bounds = array<i64: 2, 16>, scalar_prefetch = 0 : i64, scratch_operands = 5 : i64, tpu.core_type = #tpu.core_type<sc_vector_subcore>, window_params = [{transform_indices = #map}, {transform_indices = #map}, {transform_indices = #map1}, {transform_indices = #map1}, {transform_indices = #map1}]} {
    %mul3A = arith.constant 2 : i32
    %mul3A_0 = arith.muli %arg1, %mul3A : i32
    %add3A = arith.addi %mul3A_0, %arg0 : i32
    %mul3A_1 = arith.constant 32 : i32
    %mul3A_2 = arith.muli %add3A, %mul3A_1 : i32
    "tpu.region"() ({
      %run_scoped3A = tpu.sem_alloc : memref<!tpu.dma_semaphore, #tpu.memory_space<semaphore_mem>>
      %dma_start3A = arith.constant 0 : i32
      %dma_start3A_7 = tpu.memref_slice %arg3[%mul3A_2, %dma_start3A] : memref<1024x256xi32, #tpu.memory_space<hbm>> -> memref<32x256xi32, #tpu.memory_space<hbm>>
      %dma_start3A_8 = arith.constant 0 : i32
      %dma_start3A_9 = tpu.memref_slice %arg3[%mul3A_2, %dma_start3A_8] : memref<1024x256xi32, #tpu.memory_space<hbm>> -> memref<32x256xi32, #tpu.memory_space<hbm>>
      tpu.enqueue_dma source(%dma_start3A_9 : memref<32x256xi32, #tpu.memory_space<hbm>>) target(%arg7 : memref<32x256xi32, #tpu.memory_space<vmem>>) target_semaphore(%run_scoped3A : memref<!tpu.dma_semaphore, #tpu.memory_space<semaphore_mem>>)
      %dma_wait3A = arith.constant 0 : i32
      %dma_wait3A_10 = tpu.memref_slice %arg3[%mul3A_2, %dma_wait3A] : memref<1024x256xi32, #tpu.memory_space<hbm>> -> memref<32x256xi32, #tpu.memory_space<hbm>>
      %dma_wait3A_11 = arith.constant 0 : i32
      %dma_wait3A_12 = tpu.memref_slice %arg3[%mul3A_2, %dma_wait3A_11] : memref<1024x256xi32, #tpu.memory_space<hbm>> -> memref<32x256xi32, #tpu.memory_space<hbm>>
      tpu.wait_dma2 semaphore(%run_scoped3A : memref<!tpu.dma_semaphore, #tpu.memory_space<semaphore_mem>>) src(%dma_wait3A_12 : memref<32x256xi32, #tpu.memory_space<hbm>>) dst(%arg7 : memref<32x256xi32, #tpu.memory_space<vmem>>)
      tpu.yield
    }) : () -> ()
    "tpu.region"() ({
      %run_scoped3A = tpu.sem_alloc : memref<!tpu.dma_semaphore, #tpu.memory_space<semaphore_mem>>
      %dma_start3A = arith.constant 0 : i32
      %dma_start3A_7 = tpu.memref_slice %arg2[%mul3A_2, %dma_start3A] : memref<1024x256xf32, #tpu.memory_space<hbm>> -> memref<32x256xf32, #tpu.memory_space<hbm>>
      %dma_start3A_8 = arith.constant 0 : i32
      %dma_start3A_9 = tpu.memref_slice %arg2[%mul3A_2, %dma_start3A_8] : memref<1024x256xf32, #tpu.memory_space<hbm>> -> memref<32x256xf32, #tpu.memory_space<hbm>>
      tpu.enqueue_dma source(%dma_start3A_9 : memref<32x256xf32, #tpu.memory_space<hbm>>) target(%arg8 : memref<32x256xf32, #tpu.memory_space<vmem>>) target_semaphore(%run_scoped3A : memref<!tpu.dma_semaphore, #tpu.memory_space<semaphore_mem>>)
      %dma_wait3A = arith.constant 0 : i32
      %dma_wait3A_10 = tpu.memref_slice %arg2[%mul3A_2, %dma_wait3A] : memref<1024x256xf32, #tpu.memory_space<hbm>> -> memref<32x256xf32, #tpu.memory_space<hbm>>
      %dma_wait3A_11 = arith.constant 0 : i32
      %dma_wait3A_12 = tpu.memref_slice %arg2[%mul3A_2, %dma_wait3A_11] : memref<1024x256xf32, #tpu.memory_space<hbm>> -> memref<32x256xf32, #tpu.memory_space<hbm>>
      tpu.wait_dma2 semaphore(%run_scoped3A : memref<!tpu.dma_semaphore, #tpu.memory_space<semaphore_mem>>) src(%dma_wait3A_12 : memref<32x256xf32, #tpu.memory_space<hbm>>) dst(%arg8 : memref<32x256xf32, #tpu.memory_space<vmem>>)
      tpu.yield
    }) : () -> ()
    "tpu.region"() ({
      %run_scoped3A = tpu.sem_alloc : memref<!tpu.dma_semaphore, #tpu.memory_space<semaphore_mem>>
      tpu.enqueue_dma source(%arg4 : memref<1024xf32, #tpu.memory_space<hbm>>) target(%arg10 : memref<1024xf32, #tpu.memory_space<vmem>>) target_semaphore(%run_scoped3A : memref<!tpu.dma_semaphore, #tpu.memory_space<semaphore_mem>>)
      tpu.wait_dma2 semaphore(%run_scoped3A : memref<!tpu.dma_semaphore, #tpu.memory_space<semaphore_mem>>) src(%arg4 : memref<1024xf32, #tpu.memory_space<hbm>>) dst(%arg10 : memref<1024xf32, #tpu.memory_space<vmem>>)
      tpu.yield
    }) : () -> ()
    "tpu.region"() ({
      %run_scoped3A = tpu.sem_alloc : memref<!tpu.dma_semaphore, #tpu.memory_space<semaphore_mem>>
      tpu.enqueue_dma source(%arg5 : memref<1024xf32, #tpu.memory_space<hbm>>) target(%arg11 : memref<1024xf32, #tpu.memory_space<vmem>>) target_semaphore(%run_scoped3A : memref<!tpu.dma_semaphore, #tpu.memory_space<semaphore_mem>>)
      tpu.wait_dma2 semaphore(%run_scoped3A : memref<!tpu.dma_semaphore, #tpu.memory_space<semaphore_mem>>) src(%arg5 : memref<1024xf32, #tpu.memory_space<hbm>>) dst(%arg11 : memref<1024xf32, #tpu.memory_space<vmem>>)
      tpu.yield
    }) : () -> ()
    %parallel_loop3A = arith.constant 0 : i32
    %parallel_loop3A_3 = arith.constant 512 : i32
    %parallel_loop3A_4 = arith.constant 1 : i32
    scf.for %parallel_loop3A_7 = %parallel_loop3A to %parallel_loop3A_3 step %parallel_loop3A_4  : i32 {
      %parallel_loop3A_8 = arith.constant 16 : i32
      %parallel_loop3A_9 = arith.divsi %parallel_loop3A_7, %parallel_loop3A_8 : i32
      %parallel_loop3A_10 = arith.constant 0 : i32
      %parallel_loop3A_11 = arith.cmpi sgt, %parallel_loop3A_7, %parallel_loop3A_10 : i32
      %parallel_loop3A_12 = arith.extui %parallel_loop3A_11 : i1 to i32
      %parallel_loop3A_13 = arith.constant 0 : i32
      %parallel_loop3A_14 = arith.cmpi slt, %parallel_loop3A_7, %parallel_loop3A_13 : i32
      %parallel_loop3A_15 = arith.extui %parallel_loop3A_14 : i1 to i32
      %parallel_loop3A_16 = arith.subi %parallel_loop3A_12, %parallel_loop3A_15 : i32
      %parallel_loop3A_17 = arith.constant 0 : i32
      %parallel_loop3A_18 = arith.cmpi sgt, %parallel_loop3A_8, %parallel_loop3A_17 : i32
      %parallel_loop3A_19 = arith.extui %parallel_loop3A_18 : i1 to i32
      %parallel_loop3A_20 = arith.constant 0 : i32
      %parallel_loop3A_21 = arith.cmpi slt, %parallel_loop3A_8, %parallel_loop3A_20 : i32
      %parallel_loop3A_22 = arith.extui %parallel_loop3A_21 : i1 to i32
      %parallel_loop3A_23 = arith.subi %parallel_loop3A_19, %parallel_loop3A_22 : i32
      %parallel_loop3A_24 = arith.cmpi ne, %parallel_loop3A_16, %parallel_loop3A_23 : i32
      %parallel_loop3A_25 = arith.remsi %parallel_loop3A_7, %parallel_loop3A_8 : i32
      %parallel_loop3A_26 = arith.constant 0 : i32
      %parallel_loop3A_27 = arith.cmpi ne, %parallel_loop3A_25, %parallel_loop3A_26 : i32
      %parallel_loop3A_28 = arith.andi %parallel_loop3A_24, %parallel_loop3A_27 : i1
      %parallel_loop3A_29 = arith.constant 1 : i32
      %parallel_loop3A_30 = arith.subi %parallel_loop3A_9, %parallel_loop3A_29 : i32
      %parallel_loop3A_31 = arith.select %parallel_loop3A_28, %parallel_loop3A_30, %parallel_loop3A_9 : i32
      %parallel_loop3A_32 = arith.constant 16 : i32
      %parallel_loop3A_33 = arith.constant 0 : i32
      %parallel_loop3A_34 = arith.cmpi eq, %parallel_loop3A_32, %parallel_loop3A_33 : i32
      %parallel_loop3A_35 = arith.constant 1 : i32
      %parallel_loop3A_36 = arith.select %parallel_loop3A_34, %parallel_loop3A_35, %parallel_loop3A_32 : i32
      %parallel_loop3A_37 = arith.remsi %parallel_loop3A_7, %parallel_loop3A_36 : i32
      %parallel_loop3A_38 = arith.constant 0 : i32
      %parallel_loop3A_39 = arith.cmpi ne, %parallel_loop3A_37, %parallel_loop3A_38 : i32
      %parallel_loop3A_40 = arith.constant 0 : i32
      %parallel_loop3A_41 = arith.cmpi slt, %parallel_loop3A_37, %parallel_loop3A_40 : i32
      %parallel_loop3A_42 = arith.constant 0 : i32
      %parallel_loop3A_43 = arith.cmpi slt, %parallel_loop3A_36, %parallel_loop3A_42 : i32
      %parallel_loop3A_44 = arith.xori %parallel_loop3A_41, %parallel_loop3A_43 : i1
      %parallel_loop3A_45 = arith.andi %parallel_loop3A_44, %parallel_loop3A_39 : i1
      %parallel_loop3A_46 = arith.addi %parallel_loop3A_37, %parallel_loop3A_36 : i32
      %parallel_loop3A_47 = arith.select %parallel_loop3A_45, %parallel_loop3A_46, %parallel_loop3A_37 : i32
      %parallel_loop3A_48 = arith.constant 16 : i32
      %parallel_loop3A_49 = arith.muli %parallel_loop3A_47, %parallel_loop3A_48 : i32
      %parallel_loop3A_50 = arith.index_cast %parallel_loop3A_31 : i32 to index
      %parallel_loop3A_51 = arith.index_cast %parallel_loop3A_49 : i32 to index
      %parallel_loop3A_52 = tpu.vector_load %arg7[%parallel_loop3A_50, %parallel_loop3A_51] {strides = array<i32>} : memref<32x256xi32, #tpu.memory_space<vmem>>, vector<16xi32>,
      %parallel_loop3A_53 = tpu.vector_load_idx %arg10[%parallel_loop3A_52] : memref<1024xf32, #tpu.memory_space<vmem>>[vector<16xi32>], vector<16xf32>,
      %parallel_loop3A_54 = tpu.vector_load_idx %arg11[%parallel_loop3A_52] : memref<1024xf32, #tpu.memory_space<vmem>>[vector<16xi32>], vector<16xf32>,
      %parallel_loop3A_55 = arith.index_cast %parallel_loop3A_31 : i32 to index
      %parallel_loop3A_56 = arith.index_cast %parallel_loop3A_49 : i32 to index
      %parallel_loop3A_57 = tpu.vector_load %arg8[%parallel_loop3A_55, %parallel_loop3A_56] {strides = array<i32>} : memref<32x256xf32, #tpu.memory_space<vmem>>, vector<16xf32>,
      %parallel_loop3A_58 = arith.mulf %parallel_loop3A_53, %parallel_loop3A_57 : vector<16xf32>
      %parallel_loop3A_59 = arith.addf %parallel_loop3A_58, %parallel_loop3A_54 : vector<16xf32>
      %parallel_loop3A_60 = arith.constant 16 : i32
      %parallel_loop3A_61 = arith.muli %parallel_loop3A_7, %parallel_loop3A_60 : i32
      %parallel_loop3A_62 = arith.index_cast %parallel_loop3A_61 : i32 to index
      %parallel_loop3A_63 = tpu.vector_load %arg9[%parallel_loop3A_62] {strides = array<i32>} : memref<8192xf32, #tpu.memory_space<vmem>>, vector<16xf32>,
      tpu.vector_store %arg9[%parallel_loop3A_62], %parallel_loop3A_59 {strides = array<i32>} : memref<8192xf32, #tpu.memory_space<vmem>>, vector<16xf32>,
    } {sc.loop_unroll_factor = 16 : i64, sc.parallel_access}
    %mul3A_5 = arith.constant 8192 : i32
    %mul3A_6 = arith.muli %add3A, %mul3A_5 : i32
    "tpu.region"() ({
      %run_scoped3A = tpu.sem_alloc : memref<!tpu.dma_semaphore, #tpu.memory_space<semaphore_mem>>
      %dma_start3A = tpu.memref_slice %arg6[%mul3A_6] : memref<262144xf32, #tpu.memory_space<hbm>> -> memref<8192xf32, #tpu.memory_space<hbm>>
      %dma_start3A_7 = tpu.memref_slice %arg6[%mul3A_6] : memref<262144xf32, #tpu.memory_space<hbm>> -> memref<8192xf32, #tpu.memory_space<hbm>>
      tpu.enqueue_dma source(%arg9 : memref<8192xf32, #tpu.memory_space<vmem>>) target(%dma_start3A_7 : memref<8192xf32, #tpu.memory_space<hbm>>) target_semaphore(%run_scoped3A : memref<!tpu.dma_semaphore, #tpu.memory_space<semaphore_mem>>)
      %dma_wait3A = tpu.memref_slice %arg6[%mul3A_6] : memref<262144xf32, #tpu.memory_space<hbm>> -> memref<8192xf32, #tpu.memory_space<hbm>>
      %dma_wait3A_8 = tpu.memref_slice %arg6[%mul3A_6] : memref<262144xf32, #tpu.memory_space<hbm>> -> memref<8192xf32, #tpu.memory_space<hbm>>
      tpu.wait_dma2 semaphore(%run_scoped3A : memref<!tpu.dma_semaphore, #tpu.memory_space<semaphore_mem>>) src(%arg9 : memref<8192xf32, #tpu.memory_space<vmem>>) dst(%dma_wait3A_8 : memref<8192xf32, #tpu.memory_space<hbm>>)
      tpu.yield
    }) : () -> ()
    return
  }
}

module attributes {stable_mosaic.version = 14 : i64} {
  func.func @body(%arg0: i32, %arg1: memref<256x128xf32, #tpu.memory_space<vmem>>, %arg2: memref<8x128xf32, #tpu.memory_space<vmem>>, %arg3: memref<8x128xf32, #tpu.memory_space<vmem>>, %arg4: memref<256x128x128xf32, #tpu.memory_space<vmem>>) attributes {dimension_semantics = [#tpu.dimension_semantics<arbitrary>], iteration_bounds = array<i64: 8>, scalar_prefetch = 0 : i64, scratch_operands = 0 : i64, tpu.core_type = #tpu.core_type<tc>, window_params = [{transform_indices = @transform_0, window_bounds = array<i64: 256, 128>}, {transform_indices = @transform_1, window_bounds = array<i64: 8, 128>}, {transform_indices = @transform_2, window_bounds = array<i64: 8, 128>}, {transform_indices = @transform_3, window_bounds = array<i64: 256, 128, 128>}]} {
    %get3A = arith.constant 0 : index
    %get3A_0 = arith.constant 0 : index
    %get3A_1 = vector.load %arg1[%get3A, %get3A_0] : memref<256x128xf32, #tpu.memory_space<vmem>>, vector<256x128xf32>
    %get3A_2 = arith.constant 0 : index
    %get3A_3 = arith.constant 0 : index
    %get3A_4 = vector.load %arg2[%get3A_2, %get3A_3] : memref<8x128xf32, #tpu.memory_space<vmem>>, vector<8x128xf32>
    %slice3A = vector.extract_strided_slice %get3A_4 {offsets = [0, 0], sizes = [1, 128], strides = [1, 1]} : vector<8x128xf32> to vector<1x128xf32>
    %squeeze3A = vector.shape_cast %slice3A : vector<1x128xf32> to vector<128xf32>
    %get3A_5 = arith.constant 0 : index
    %get3A_6 = arith.constant 0 : index
    %get3A_7 = vector.load %arg3[%get3A_5, %get3A_6] : memref<8x128xf32, #tpu.memory_space<vmem>>, vector<8x128xf32>
    %slice3A_8 = vector.extract_strided_slice %get3A_7 {offsets = [0, 0], sizes = [1, 128], strides = [1, 1]} : vector<8x128xf32> to vector<1x128xf32>
    %squeeze3A_9 = vector.shape_cast %slice3A_8 : vector<1x128xf32> to vector<128xf32>
    %abs3A = math.absf %squeeze3A_9 : vector<128xf32>
    %mul3A = arith.constant -1.44269502 : f32
    %mul3A_10 = vector.broadcast %mul3A : f32 to vector<128xf32>
    %mul3A_11 = arith.mulf %abs3A, %mul3A_10 : vector<128xf32>
    %broadcast_in_dim3A = vector.shape_cast %get3A_1 : vector<256x128xf32> to vector<256x128x1xf32>
    %broadcast_in_dim3A_12 = vector.shape_cast %squeeze3A : vector<128xf32> to vector<1x1x128xf32>
    %sub3A = vector.broadcast %broadcast_in_dim3A : vector<256x128x1xf32> to vector<256x128x128xf32>
    %sub3A_13 = vector.broadcast %broadcast_in_dim3A_12 : vector<1x1x128xf32> to vector<256x128x128xf32>
    %sub3A_14 = arith.subf %sub3A, %sub3A_13 : vector<256x128x128xf32>
    %mul3A_15 = arith.mulf %sub3A_14, %sub3A_14 : vector<256x128x128xf32>
    %broadcast_in_dim3A_16 = vector.shape_cast %mul3A_11 : vector<128xf32> to vector<1x1x128xf32>
    %mul3A_17 = vector.broadcast %broadcast_in_dim3A_16 : vector<1x1x128xf32> to vector<256x128x128xf32>
    %mul3A_18 = arith.mulf %mul3A_15, %mul3A_17 : vector<256x128x128xf32>
    %exp23A = math.exp2 %mul3A_18 : vector<256x128x128xf32>
    %swap3A = arith.constant 0 : index
    %swap3A_19 = arith.constant 0 : index
    %swap3A_20 = arith.constant 0 : index
    %swap3A_21 = vector.load %arg4[%swap3A, %swap3A_19, %swap3A_20] : memref<256x128x128xf32, #tpu.memory_space<vmem>>, vector<256x128x128xf32>
    tpu.vector_store %arg4[%swap3A, %swap3A_19, %swap3A_20], %exp23A {strides = array<i32>} : memref<256x128x128xf32, #tpu.memory_space<vmem>>, vector<256x128x128xf32>,
    return
  }
  func.func @transform_0(%arg0: i32) -> (i32, i32) {
    %c0_i32 = arith.constant 0 : i32
    %c0_i32_0 = arith.constant 0 : i32
    return %arg0, %c0_i32 : i32, i32
  }
  func.func @transform_1(%arg0: i32) -> (i32, i32) {
    %c0_i32 = arith.constant 0 : i32
    %c0_i32_0 = arith.constant 0 : i32
    %c0_i32_1 = arith.constant 0 : i32
    return %c0_i32, %c0_i32_0 : i32, i32
  }
  func.func @transform_2(%arg0: i32) -> (i32, i32) {
    %c0_i32 = arith.constant 0 : i32
    %c0_i32_0 = arith.constant 0 : i32
    %c0_i32_1 = arith.constant 0 : i32
    return %c0_i32, %c0_i32_0 : i32, i32
  }
  func.func @transform_3(%arg0: i32) -> (i32, i32, i32) {
    %c0_i32 = arith.constant 0 : i32
    %c0_i32_0 = arith.constant 0 : i32
    %c0_i32_1 = arith.constant 0 : i32
    return %arg0, %c0_i32, %c0_i32_0 : i32, i32, i32
  }
}

</mosaic_0001>

<sc_bundles>
// kernel: kernel.4.cloned.1.call-start
scs
__scs_entry_jumppad:
0x0: {  	(pc) =	sbr.rel $0x88, $3  }
0x1: {  	(tag) =	ssettag $0x0;
	lr =	simm.s32 $0x1  }
0x2: {  	[smem:$0x3F9B] =	sst lr;
	_ =	strace $0xD0000000  }
0x3: {  	_ = 	snop  }
0x4: {  	_ = 	snop  }
0x5: {  	_ = 	snop  }
0x6: {  	_ = 	snop  }
0x7: {  	_ = 	snop  }
__scs_overlays_trampoline_lowered:
0x8: {  	[smem:$0x3FAA] =	sst s0  }
0x9: {  	[smem:$0x3FAB] =	sst s1  }
0xa: {  	[smem:$0x3FAC] =	sst s2  }
0xb: {  	[smem:$0x3FAD] =	sst s3  }
0xc: {  	[smem:$0x3FAE] =	sst s4  }
0xd: {  	[smem:$0x3FAF] =	sst s5  }
0xe: {  	[smem:$0x3FB0] =	sst s6  }
0xf: {  	[smem:$0x3FB1] =	sst s7  }
0x10: {  	[smem:$0x3FB2] =	sst s8  }
0x11: {  	[smem:$0x3FB3] =	sst s9;
	s0 =	simm.s32 @!p0 $0x0  }
0x12: {  	s1 =	sld [smem:$0x3F99];
	s0 =	simm.s32 @p0 $0x1  }
0x13: {  	[smem:$0x3FB4] =	sst s0;
	s0 =	simm.s32 @!p1 $0x0  }
0x14: {  	s2 =	sld [smem:$0x3F98];
	s0 =	simm.s32 @p1 $0x1  }
0x15: {  	[smem:$0x3FB5] =	sst s0;
	s0 =	simm.s32 @!p2 $0x0  }
0x16: {  	s3 =	sld [smem:$0x3FDB];
	s0 =	simm.s32 @p2 $0x1  }
0x17: {  	s4 =	simm.s32 $0x1BF5;
	[smem:$0x3FB7] =	sst s0  }
0x18: {  	s0 =	sld [smem:$0x3F9A];
	_ =	swait.ge [sflag:s4], $0x0  }
0x19: {  	s7 =	sld [smem:$0x3F9B]  }
0x1a: {  	s8 =	sadd.s32 $0xFFFFE003, lr  }
0x1b: {  	s9 =	sadd.s32 $0xFFFFFEF7, lr;
	s5 =	simm.s32 $0xFFFFFFFF;
	p2 =	slt.u32 s8, $0xFFFFF086  }
0x1c: {  	p1 =	slt.u32 s9, $0xF7A;
	s5 =	simm.s32 @!p2 $0x0  }
0x1d: {  	s5 =	simm.s32 @p1 $0x1;
	p0 =	seq.s32 s7, s2  }
0x1e: {  	s7 =	smul.u32 @!p0 $0xF7A, s2;
	p2 =	seq.s32 @!p0 s5, $0x0  }
0x1f: {  	s9 =	smul.u32 $0xF7A, s1;
	s8 =	simm.s32 @!p0 $0x1BF5;
	p2 =	por !p2, p0  }
0x20: {  	[sflag:s8] =	ssyncset.s32 @!p0 $0xFFFFF086;
	s6 =	sadd.s32 @!p0 s3, s7;
	s7 =	simm.s32 @!p0 $0x108  }
0x21: {  	s3 =	sadd.s32 s3, s9;
	s6 =	sadd.s32 @!p0 $0x88, s6;
	s7 =	simm.s32 @p2 $0x1082  }
0x22: {  	[simem:s7], [sflag:s8] =	dma.local @!p0 [hbm:s6], $0xF7A  }
0x23: {  	s9 =	sor.u32 $0xD0000000, s2;
	s6 =	simm.s32 $0x108;
	_ =	swait.ge @!p0 [sflag:s8], $0x0  }
0x24: {  	s3 =	sadd.s32 $0x88, s3;
	s6 =	simm.s32 @!p1 $0x1082;
	[sflag:s4] =	ssyncset.s32 $0xFFFFF086  }
0x25: {  	[simem:s6], [sflag:s4] =	dma.local [hbm:s3], $0xF7A  }
0x26: {  	[smem:$0x3F9B] =	sst s1;
	(tag) =	ssettag s2;
	_ =	strace s9  }
0x27: {  	s1 =	sld [smem:$0x3FAB]  }
0x28: {  	s2 =	sld [smem:$0x3FAC]  }
0x29: {  	s4 =	sld [smem:$0x3FAE]  }
0x2a: {  	p0 =	seq.s32 s5, $0x0;
	s5 =	sld [smem:$0x3FAF]  }
0x2b: {  	s6 =	sld [smem:$0x3FB0]  }
0x2c: {  	s7 =	sld [smem:$0x3FB1]  }
0x2d: {  	s3 =	simm.s32 $0x108;
	s8 =	sld [smem:$0x3FB2]  }
0x2e: {  	s3 =	simm.s32 @!p0 $0x1082;
	s9 =	sld [smem:$0x3FB3]  }
0x2f: {  	lr =	sadd.s32 s0, s3;
	s0 =	sld [smem:$0x3FAA]  }
0x30: {  	s3 =	sld [smem:$0x3FAD]  }
0x31: {  	[smem:$0x3FB6] =	sst s10  }
0x32: {  	s10 =	sld [smem:$0x3FB4];
	_ =	sdelay $0x3  }
0x33: {  	p0 =	seq.s32 s10, $0x1;
	s10 =	sld [smem:$0x3FB6];
	_ =	sdelay $0x3  }
0x34: {  	[smem:$0x3FB6] =	sst s10  }
0x35: {  	s10 =	sld [smem:$0x3FB5];
	_ =	sdelay $0x3  }
0x36: {  	p1 =	seq.s32 s10, $0x1;
	s10 =	sld [smem:$0x3FB6];
	_ =	sdelay $0x3  }
0x37: {  	[smem:$0x3FB6] =	sst s10  }
0x38: {  	s10 =	sld [smem:$0x3FB7]  }
0x39: {  	_ = 	snop;
	(pc) =	sbr.ind lr, $3  }
0x3a: {  	_ = 	snop  }
0x3b: {  	_ = 	snop  }
0x3c: {  	p2 =	seq.s32 s10, $0x1;
	s10 =	sld [smem:$0x3FB6]  }
0x3d: {  	_ =	shalt  }
0x3e: {  	_ =	shalt  }
0x3f: {  	_ =	shalt  }
0x40: {  	_ =	shalt  }
0x41: {  	_ =	shalt  }
0x42: {  	_ =	shalt  }
0x43: {  	_ =	shalt  }
0x44: {  	_ =	shalt  }
0x45: {  	_ =	shalt  }
0x46: {  	_ =	shalt  }
0x47: {  	_ =	shalt  }
0x48: {  	_ =	shalt  }
0x49: {  	_ =	shalt  }
0x4a: {  	_ =	shalt  }
0x4b: {  	_ =	shalt  }
0x4c: {  	_ =	shalt  }
0x4d: {  	_ =	shalt  }
0x4e: {  	_ =	shalt  }
0x4f: {  	_ =	shalt  }
0x50: {  	_ =	shalt  }
0x51: {  	_ =	shalt  }
0x52: {  	_ =	shalt  }
0x53: {  	_ =	shalt  }
0x54: {  	_ =	shalt  }
0x55: {  	_ =	shalt  }
0x56: {  	_ =	shalt  }
0x57: {  	_ =	shalt  }
0x58: {  	_ =	shalt  }
0x59: {  	_ =	shalt  }
0x5a: {  	_ =	shalt  }
0x5b: {  	_ =	shalt  }
0x5c: {  	_ =	shalt  }
0x5d: {  	_ =	shalt  }
0x5e: {  	_ =	shalt  }
0x5f: {  	_ =	shalt  }
0x60: {  	_ =	shalt  }
0x61: {  	_ =	shalt  }
0x62: {  	_ =	shalt  }
0x63: {  	_ =	shalt  }
0x64: {  	_ =	shalt  }
0x65: {  	_ =	shalt  }
0x66: {  	_ =	shalt  }
0x67: {  	_ =	shalt  }
0x68: {  	_ =	shalt  }
0x69: {  	_ =	shalt  }
0x6a: {  	_ =	shalt  }
0x6b: {  	_ =	shalt  }
0x6c: {  	_ =	shalt  }
0x6d: {  	_ =	shalt  }
0x6e: {  	_ =	shalt  }
0x6f: {  	_ =	shalt  }
0x70: {  	_ =	shalt  }
0x71: {  	_ =	shalt  }
0x72: {  	_ =	shalt  }
0x73: {  	_ =	shalt  }
0x74: {  	_ =	shalt  }
0x75: {  	_ =	shalt  }
0x76: {  	_ =	shalt  }
0x77: {  	_ =	shalt  }
0x78: {  	_ =	shalt  }
0x79: {  	_ =	shalt  }
0x7a: {  	_ =	shalt  }
0x7b: {  	_ =	shalt  }
0x7c: {  	_ =	shalt  }
0x7d: {  	_ =	shalt  }
0x7e: {  	_ =	shalt  }
0x7f: {  	_ =	shalt  }
0x80: {  	_ =	shalt  }
0x81: {  	_ =	shalt  }
0x82: {  	_ =	shalt  }
0x83: {  	_ =	shalt  }
0x84: {  	_ =	shalt  }
0x85: {  	_ =	shalt  }
0x86: {  	_ =	shalt  }
0x87: {  	_ =	shalt  }
.Lfunc_end0:
.L_simem_size_0:
called_computation_lowered:
.L_overlay_start_0:
0x88: {  	s2 =	sld [smem:$0x3FD9]  }
0x89: {  	s3 =	sld [smem:$0x3FFE];
	_ =	sdelay $0x1  }
0x8a: {  	s1 =	srdreg.scid  }
0x8b: {  	s0 =	sand.u32 $0x1, s1  }
0x8c: {  	s18 =	sshll.u32 s0, $0xA;
	s2 =	sadd.s32 s3, s2  }
0x8d: {  	s2 =	sadd.s32 s2, s18  }
0x8e: {  	[smem:$0x3FC2] =	sst s2  }
0x8f: {  	_ = 	snop  }
0x90: {  	s2 =	sld [smem:$0x3FC9]  }
0x91: {  	s19 =	sld [smem:$0x3FC8]  }
0x92: {  	s4 =	sld [smem:$0x3FC5]  }
0x93: {  	s5 =	sld [smem:$0x3FC4]  }
0x94: {  	s6 =	sld [smem:$0x3FD0];
	(tm) =	ssettm $0x1  }
0x95: {  	s7 =	sld [smem:$0x3FFB];
	_ =	sdelay $0x3  }
0x96: {  	_ =	strace s7  }
0x97: {  	s7 =	sld [smem:$0x3FFC];
	_ =	sdelay $0x3  }
0x98: {  	_ =	strace s7  }
0x99: {  	s7 =	sld [smem:$0x3FFD];
	_ =	sdelay $0x3  }
0x9a: {  	_ =	strace s7  }
0x9b: {  	_ =	strace $0x8FFFFFFF  }
0x9c: {  	s20 =	sld [smem:$0x3FDB];
	_ =	sdelay $0x1  }
0x9d: {  	s8 =	simm.s32 $_scs_section_size  }
0x9e: {  	s9 =	simm.s32 $_size__tile_overlayer_lowered;
	s10 =	simm.s32 $_tile_overlayer_lowered  }
0x9f: {  	s23 =	simm.s32 $0x1BFF;
	s22 =	sshll.u32 s10, $0x1;
	s7 =	sadd.s32 s8, s20  }
0xa0: {  	s11 =	simm.s32 $0x0;
	s21 =	sshll.u32 s9, $0x1;
	s9 =	sadd.s32 s22, s7  }
0xa1: {  	[timem:s11], [sflag:s23] =	dma.local [hbm:s9], s21  }
0xa2: {  	_ =	swait.ge [sflag:s23], s21  }
0xa3: {  	s8 =	ssub.s32 $0x0, s21;
	[sflag:s23] =	ssyncset.done $0x0  }
0xa4: {  	[sflag:s23] =	ssyncadd.s32 s8;
	_ =	sdelay $0x1  }
0xa5: {  	s24 =	simm.s32 $0x1B8B  }
0xa6: {  	_ =	swait.ge [sflag:s24], $0x1  }
0xa7: {  	[sflag:s24] =	ssyncset.done $0x0  }
0xa8: {  	s25 =	simm.s32 $0x1B8E;
	[sflag:s24] =	ssyncadd.s32 $0xFFFFFFFF  }
0xa9: {  	s26 =	simm.s32 $execute0_lowered;
	[smem:$0x3FD2] =	sst s25  }
0xaa: {  	s8 =	sshll.u32 s26, $0x1;
	_ =	strace $0x80000046;
	[dreg:$0x1] =	wrdreg $0xFFFFFFFF  }
0xab: {  	s28 =	simm.s32 $_size_execute0_lowered;
	s7 =	sadd.s32 s7, s8;
	[dreg:$0x0] =	wrdreg $0x0  }
0xac: {  	s8 =	sshll.u32 s28, $0x1;
	[dreg:$0x2] =	wrdreg s7  }
0xad: {  	[dreg:$0x3] =	wrdreg s8  }
0xae: {  	[dreg:$0x4] =	wrdreg $0xC0  }
0xaf: {  	_ =	task [dreg:s11], $0x5FFFF  }
0xb0: {  	[dreg:$0x1] =	wrdreg $0xFFFFFFFF  }
0xb1: {  	[dreg:$0x0] =	wrdreg $0x60  }
0xb2: {  	[dreg:$0x2] =	wrdreg s2  }
0xb3: {  	[dreg:$0x3] =	wrdreg s19  }
0xb4: {  	[dreg:$0x4] =	wrdreg s4  }
0xb5: {  	[dreg:$0x5] =	wrdreg s5  }
0xb6: {  	[dreg:$0x6] =	wrdreg s6  }
0xb7: {  	[dreg:$0x7] =	wrdreg $0x9  }
0xb8: {  	_ =	task.clear_ibuf [dreg:s11], $0x8FFFF;
	_ =	strace $0x90000046  }
0xb9: {  	s29 =	simm.s32 $0x9;
	_ =	strace $0x80000048  }
0xba: {  	_ =	swait.ge [sflag:s29], $0x1  }
0xbb: {  	[sflag:s29] =	ssyncadd.s32 $0xFFFFFFFF  }
0xbc: {  	_ =	strace $0x90000048  }
0xbd: {  	_ =	sfence  }
0xbe: {  	s30 =	sld [smem:$0x0];
	_ =	sdelay $0x2  }
0xbf: {  	s31 =	sshll.u32 s1, $0xD;
	s1 =	sshrl.u32 s1, $0x2  }
0xc0: {  	s3 =	sand.u32 $0x4000, s31;
	s1 =	sadd.s32 s1, s30  }
0xc1: {  	s0 =	sor.u32 s3, s0;
	s1 =	sshll.u32 s1, $0x11  }
0xc2: {  	s0 =	sor.u32 s1, s0  }
0xc3: {  	s0 =	sadd.s32 $0x8F2B, s0  }
0xc4: {  	[sflag:s0] =	ssyncadd.remote.s32 $0x1  }
0xc5: {  	_ =	sfence.sel $0xFFFF  }
0xc6: {  	[dreg:$0x0] =	wrdreg $0xFFFFFFFF;
	(pc) =	sbr.abs _section_cstart, $3  }
0xc7: {  	[dreg:$0x1] =	wrdreg $0xFFFFFFFF  }
0xc8: {  	_ =	task.clear_ibuf [dreg:s11], $0x2FFFF;
	_ =	strace $0x9FFFFFFF  }
0xc9: {  	(tm) =	ssettm $0x7FFFFFFF  }
tec
execute0_lowered:
.L_overlay_start_1:
0x0: {  	(tag) =	ssettag $0x1  }
0x1: {  	s6 =	rddreg [dreg:$0x0]  }
0x2: {  	s5 =	rddreg [dreg:$0x1]  }
0x3: {  	s1 =	rddreg [dreg:$0x2]  }
0x4: {  	s2 =	rddreg [dreg:$0x3]  }
0x5: {  	s7 =	rddreg [dreg:$0x4]  }
0x6: {  	s0 =	rddreg [dreg:$0x5];
	s8 =	srdreg.scid  }
0x7: {  	s4 =	simm.s32 $0x0;
	s3 =	stileid.u32;
	s12 =	simm.s32 $0x6400  }
0x8: {  	s13 =	simm.s32 $0x4000;
	s14 =	simm.s32 $0x0;
	s8 =	sand.u32 $0x1, s8  }
0x9: {  	s10 =	sshll.u32 s3, $0xB;
	[smem:$0x7FF] =	sst s4;
	s9 =	ssub.s32 $0x2, s8  }
0xa: {  	s8 =	sshll.u32 s8, $0xA;
	_ =	strace $0x80000047;
	s11 =	sshrl.u32 s9, $0x1  }
0xb: {  	s8 =	sor.u32 s8, s10;
	s10 =	simm.s32 $0x2000;
	s9 =	ssub.s32 s9, s11  }
0xc: {  	s5 =	sadd.s32 s5, s8;
	s6 =	sadd.s32 s6, s8;
	s7 =	sadd.s32 s7, s8  }
0xd: {  	s11 =	simm.s32 $0x6000;
	s8 =	smax.u32 s9, $0x1;
	s9 =	simm.s32 $0x1  }
.LBB2_1:
0xe: {  	[tilespmem:s4], [sflag:$0x1] =	stream.linear.gather [hbm4b:s5+s4], $0x2000, $0x38;
	[tilespmem:$0x6800] =	vst v63  }
0xf: {  	_ =	swait.ge [sflag:s9], $0x2000  }
0x10: {  	[sflag:s9] =	ssyncset.done $0x0  }
0x11: {  	[sflag:s9] =	ssyncadd.s32 $0xFFFFE000  }
0x12: {  	[tilespmem:s10], [sflag:$0x1] =	stream.linear.gather [hbm4b:s6+s4], $0x2000, $0x38;
	[tilespmem:$0x6800] =	vst v63  }
0x13: {  	_ =	swait.ge [sflag:s9], $0x2000  }
0x14: {  	[sflag:s9] =	ssyncset.done $0x0  }
0x15: {  	[sflag:s9] =	ssyncadd.s32 $0xFFFFE000  }
0x16: {  	[tilespmem:s11], [sflag:$0x1] =	stream.linear.gather [hbm4b:s1+s4], $0x400, $0x38;
	[tilespmem:$0x6800] =	vst v63  }
0x17: {  	_ =	swait.ge [sflag:s9], $0x400  }
0x18: {  	[sflag:s9] =	ssyncset.done $0x0  }
0x19: {  	[sflag:s9] =	ssyncadd.s32 $0xFFFFFC00  }
0x1a: {  	[tilespmem:s12], [sflag:$0x1] =	stream.linear.gather [hbm4b:s2+s4], $0x400, $0x38;
	[tilespmem:$0x6800] =	vst v63  }
0x1b: {  	_ =	swait.ge [sflag:s9], $0x400  }
0x1c: {  	s15 =	sand.u32 $0x1800, s4;
	s16 =	sand.u32 $0x380, s4;
	[sflag:s9] =	ssyncset.done $0x0  }
0x1d: {  	s15 =	sor.u32 s16, s15;
	[sflag:s9] =	ssyncadd.s32 $0xFFFFFC00  }
0x1e: {  	v0 =	vld [tilespmem:s15+$0x470]  }
0x1f: {  	v2 =	vld [tilespmem:s15+$0x0]  }
0x20: {  	v3 =	vld [tilespmem:s15+$0x10]  }
0x21: {  	v4 =	vld [tilespmem:s15+$0x20]  }
0x22: {  	v5 =	vld [tilespmem:s15+$0x30]  }
0x23: {  	v6 =	vld [tilespmem:s15+$0x40]  }
0x24: {  	v7 =	vld [tilespmem:s15+$0x50]  }
0x25: {  	v8 =	vld [tilespmem:s15+$0x60]  }
0x26: {  	v10 =	vld [tilespmem:s15+$0x2470]  }
0x27: {  	v12 =	vld [tilespmem:s15+$0x70]  }
0x28: {  	v13 =	vld [tilespmem:s15+$0x400]  }
0x29: {  	v14 =	vld [tilespmem:s15+$0x410]  }
0x2a: {  	v15 =	vld [tilespmem:s15+$0x420]  }
0x2b: {  	v16 =	vld [tilespmem:s15+$0x430]  }
0x2c: {  	v18 =	vld [tilespmem:s15+$0x440]  }
0x2d: {  	v1 =	vld [tilespmem:s15+$0x450]  }
0x2e: {  	v33 =	vld [tilespmem:s15+$0x2000]  }
0x2f: {  	v34 =	vld [tilespmem:s15+$0x2010]  }
0x30: {  	v35 =	vld [tilespmem:s15+$0x2020]  }
0x31: {  	v36 =	vld [tilespmem:s15+$0x2030]  }
0x32: {  	v37 =	vld [tilespmem:s15+$0x2040]  }
0x33: {  	v38 =	vld [tilespmem:s15+$0x2050]  }
0x34: {  	v39 =	vld [tilespmem:s15+$0x2060]  }
0x35: {  	v40 =	vld [tilespmem:s15+$0x2070]  }
0x36: {  	v41 =	vld [tilespmem:s15+$0x2400]  }
0x37: {  	v42 =	vld [tilespmem:s15+$0x2410]  }
0x38: {  	v43 =	vld [tilespmem:s15+$0x2420]  }
0x39: {  	v44 =	vld [tilespmem:s15+$0x2430]  }
0x3a: {  	v45 =	vld [tilespmem:s15+$0x2440]  }
0x3b: {  	v46 =	vld [tilespmem:s15+$0x2450]  }
0x3c: {  	v47 =	vld [tilespmem:s15+$0x2460]  }
0x3d: {  	v9 =	vld.idx.msk [tilespmem:v0+s11+$0x0], $0xffff  }
0x3e: {  	v11 =	vld.idx.msk [tilespmem:v0+s12+$0x0], $0xffff  }
0x3f: {  	v0 =	vld [tilespmem:s15+$0x460]  }
0x40: {  	v17 =	vld.idx.msk [tilespmem:v2+s11+$0x0], $0xffff  }
0x41: {  	v19 =	vld.idx.msk [tilespmem:v3+s11+$0x0], $0xffff  }
0x42: {  	v20 =	vld.idx.msk [tilespmem:v4+s11+$0x0], $0xffff  }
0x43: {  	v21 =	vld.idx.msk [tilespmem:v5+s11+$0x0], $0xffff  }
0x44: {  	v22 =	vld.idx.msk [tilespmem:v6+s11+$0x0], $0xffff  }
0x45: {  	v23 =	vld.idx.msk [tilespmem:v7+s11+$0x0], $0xffff  }
0x46: {  	v24 =	vld.idx.msk [tilespmem:v8+s11+$0x0], $0xffff  }
0x47: {  	v25 =	vld.idx.msk [tilespmem:v12+s11+$0x0], $0xffff  }
0x48: {  	v26 =	vld.idx.msk [tilespmem:v13+s11+$0x0], $0xffff  }
0x49: {  	v27 =	vld.idx.msk [tilespmem:v14+s11+$0x0], $0xffff  }
0x4a: {  	v28 =	vld.idx.msk [tilespmem:v15+s11+$0x0], $0xffff  }
0x4b: {  	v29 =	vld.idx.msk [tilespmem:v16+s11+$0x0], $0xffff  }
0x4c: {  	v30 =	vld.idx.msk [tilespmem:v18+s11+$0x0], $0xffff  }
0x4d: {  	v31 =	vld.idx.msk [tilespmem:v1+s11+$0x0], $0xffff  }
0x4e: {  	v2 =	vld.idx.msk [tilespmem:v2+s12+$0x0], $0xffff  }
0x4f: {  	v3 =	vld.idx.msk [tilespmem:v3+s12+$0x0], $0xffff  }
0x50: {  	v4 =	vld.idx.msk [tilespmem:v4+s12+$0x0], $0xffff  }
0x51: {  	v5 =	vld.idx.msk [tilespmem:v5+s12+$0x0], $0xffff  }
0x52: {  	v59 =	vld.idx.msk [tilespmem:v6+s12+$0x0], $0xffff;
	v9 =	vmul.f32 v10, v9  }
0x53: {  	v62 =	vld.idx.msk [tilespmem:v7+s12+$0x0], $0xffff;
	v10 =	vmul.f32 v33, v17;
	v17 =	vmul.f32 v35, v20  }
0x54: {  	v63 =	vld.idx.msk [tilespmem:v8+s12+$0x0], $0xffff;
	v60 =	vmul.f32 v37, v22;
	v61 =	vmul.f32 v38, v23  }
0x55: {  	v12 =	vld.idx.msk [tilespmem:v12+s12+$0x0], $0xffff;
	v24 =	vmul.f32 v39, v24;
	v7 =	vmul.f32 v41, v26;
	v9 =	vadd.f32 v9, v11  }
0x56: {  	s15 =	simm.s32 $0x4080;
	v11 =	vmul.f32 v34, v19;
	v19 =	vmul.f32 v36, v21;
	v6 =	vadd.f32 v10, v2;
	v10 =	vld.idx.msk [tilespmem:v13+s12+$0x0], $0xffff  }
0x57: {  	v2 =	vmul.f32 v42, v27;
	v17 =	vadd.f32 v17, v4;
	v32 =	vld.idx.msk [tilespmem:v0+s11+$0x0], $0xffff;
	[tilespmem:s15+$0x70] =	vst v9  }
0x58: {  	v4 =	vmul.f32 v44, v29;
	v20 =	vadd.f32 v60, v59;
	v13 =	vld.idx.msk [tilespmem:v15+s12+$0x0], $0xffff;
	[tilespmem:s15+$0xFFFFFF80] =	vst v6  }
0x59: {  	v15 =	vld.idx.msk [tilespmem:v18+s12+$0x0], $0xffff;
	v9 =	vmul.f32 v40, v25;
	v8 =	vadd.f32 v11, v3;
	[tilespmem:s15+$0xFFFFFFA0] =	vst v17  }
0x5a: {  	v3 =	vmul.f32 v43, v28;
	v19 =	vadd.f32 v19, v5;
	v11 =	vld.idx.msk [tilespmem:v14+s12+$0x0], $0xffff;
	[tilespmem:s15+$0xFFFFFFC0] =	vst v20  }
0x5b: {  	v6 =	vmul.f32 v45, v30;
	v14 =	vld.idx.msk [tilespmem:v16+s12+$0x0], $0xffff;
	v17 =	vadd.f32 v61, v62;
	[tilespmem:s15+$0xFFFFFF90] =	vst v8  }
0x5c: {  	s17 =	simm.s32 $0x100;
	s18 =	simm.s32 $0x80;
	s16 =	simm.s32 $0x0;
	v16 =	vadd.f32 v24, v63;
	v8 =	vmul.f32 v46, v31;
	[tilespmem:s15+$0xFFFFFFB0] =	vst v19;
	v5 =	vmul.f32 v47, v32  }
.LBB2_2:
0x5d: {  	s19 =	sand.u32 $0x1800, s17;
	s20 =	sand.u32 $0x380, s18;
	s16 =	sadd.s32 $0x10, s16;
	[tilespmem:s15+$0xFFFFFFD0] =	vst v17;
	v9 =	vadd.f32 v9, v12;
	v1 =	vld.idx.msk [tilespmem:v1+s12+$0x0], $0xffff  }
0x5e: {  	v7 =	vadd.f32 v7, v10;
	s19 =	sor.u32 s20, s19;
	p0 =	slt.u32 s16, $0x1F0;
	[tilespmem:s15+$0xFFFFFFE0] =	vst v16;
	v0 =	vld.idx.msk [tilespmem:v0+s12+$0x0], $0xffff  }
0x5f: {  	v2 =	vadd.f32 v2, v11;
	v10 =	vld [tilespmem:s19+$0x470];
	[tilespmem:s15+$0xFFFFFFF0] =	vst v9  }
0x60: {  	v3 =	vadd.f32 v3, v13;
	v11 =	vld [tilespmem:s19+$0x0];
	[tilespmem:s15+$0x0] =	vst v7  }
0x61: {  	v12 =	vld [tilespmem:s19+$0x10];
	[tilespmem:s15+$0x10] =	vst v2;
	v2 =	vadd.f32 v4, v14  }
0x62: {  	v13 =	vld [tilespmem:s19+$0x20];
	[tilespmem:s15+$0x20] =	vst v3;
	v3 =	vadd.f32 v6, v15  }
0x63: {  	v1 =	vadd.f32 v8, v1;
	v14 =	vld [tilespmem:s19+$0x30];
	[tilespmem:s15+$0x30] =	vst v2  }
0x64: {  	v0 =	vadd.f32 v5, v0;
	v15 =	vld [tilespmem:s19+$0x40];
	[tilespmem:s15+$0x40] =	vst v3  }
0x65: {  	v16 =	vld [tilespmem:s19+$0x50];
	[tilespmem:s15+$0x50] =	vst v1  }
0x66: {  	v17 =	vld [tilespmem:s19+$0x60];
	[tilespmem:s15+$0x60] =	vst v0  }
0x67: {  	v0 =	vld.idx.msk [tilespmem:v10+s11+$0x0], $0xffff  }
0x68: {  	v1 =	vld [tilespmem:s19+$0x2470]  }
0x69: {  	v2 =	vld.idx.msk [tilespmem:v10+s12+$0x0], $0xffff  }
0x6a: {  	v10 =	vld [tilespmem:s19+$0x70]  }
0x6b: {  	v18 =	vld [tilespmem:s19+$0x400]  }
0x6c: {  	v19 =	vld [tilespmem:s19+$0x410]  }
0x6d: {  	v20 =	vld [tilespmem:s19+$0x420];
	v0 =	vmul.f32 v1, v0  }
0x6e: {  	v21 =	vld [tilespmem:s19+$0x430]  }
0x6f: {  	v22 =	vld [tilespmem:s19+$0x440];
	v2 =	vadd.f32 v0, v2  }
0x70: {  	s15 =	sadd.s32 $0x100, s15;
	v1 =	vld [tilespmem:s19+$0x450]  }
0x71: {  	v0 =	vld [tilespmem:s19+$0x460];
	[tilespmem:s15+$0x70] =	vst v2  }
0x72: {  	v2 =	vld.idx.msk [tilespmem:v11+s11+$0x0], $0xffff  }
0x73: {  	v3 =	vld.idx.msk [tilespmem:v12+s11+$0x0], $0xffff  }
0x74: {  	v4 =	vld.idx.msk [tilespmem:v13+s11+$0x0], $0xffff  }
0x75: {  	v5 =	vld.idx.msk [tilespmem:v14+s11+$0x0], $0xffff  }
0x76: {  	v6 =	vld.idx.msk [tilespmem:v15+s11+$0x0], $0xffff  }
0x77: {  	v7 =	vld.idx.msk [tilespmem:v16+s11+$0x0], $0xffff  }
0x78: {  	v8 =	vld.idx.msk [tilespmem:v17+s11+$0x0], $0xffff  }
0x79: {  	v9 =	vld.idx.msk [tilespmem:v10+s11+$0x0], $0xffff  }
0x7a: {  	v23 =	vld.idx.msk [tilespmem:v18+s11+$0x0], $0xffff  }
0x7b: {  	v24 =	vld.idx.msk [tilespmem:v19+s11+$0x0], $0xffff  }
0x7c: {  	v25 =	vld.idx.msk [tilespmem:v20+s11+$0x0], $0xffff  }
0x7d: {  	v26 =	vld.idx.msk [tilespmem:v21+s11+$0x0], $0xffff  }
0x7e: {  	v27 =	vld.idx.msk [tilespmem:v22+s11+$0x0], $0xffff  }
0x7f: {  	v28 =	vld.idx.msk [tilespmem:v1+s11+$0x0], $0xffff  }
0x80: {  	v29 =	vld.idx.msk [tilespmem:v0+s11+$0x0], $0xffff  }
0x81: {  	v30 =	vld [tilespmem:s19+$0x2000]  }
0x82: {  	v31 =	vld [tilespmem:s19+$0x2010]  }
0x83: {  	v32 =	vld [tilespmem:s19+$0x2020]  }
0x84: {  	v33 =	vld [tilespmem:s19+$0x2030]  }
0x85: {  	v34 =	vld [tilespmem:s19+$0x2040]  }
0x86: {  	v30 =	vmul.f32 v30, v2;
	v2 =	vld [tilespmem:s19+$0x2050]  }
0x87: {  	v31 =	vmul.f32 v31, v3;
	v3 =	vld [tilespmem:s19+$0x2060]  }
0x88: {  	v32 =	vmul.f32 v32, v4;
	v4 =	vld [tilespmem:s19+$0x2070]  }
0x89: {  	v33 =	vmul.f32 v33, v5;
	v5 =	vld [tilespmem:s19+$0x2400]  }
0x8a: {  	v34 =	vmul.f32 v34, v6;
	v6 =	vld [tilespmem:s19+$0x2410]  }
0x8b: {  	v35 =	vmul.f32 v2, v7;
	v36 =	vld [tilespmem:s19+$0x2420]  }
0x8c: {  	v37 =	vmul.f32 v3, v8;
	v8 =	vld [tilespmem:s19+$0x2430]  }
0x8d: {  	v9 =	vmul.f32 v4, v9;
	v38 =	vld [tilespmem:s19+$0x2440]  }
0x8e: {  	v7 =	vmul.f32 v5, v23;
	v5 =	vld [tilespmem:s19+$0x2450]  }
0x8f: {  	v2 =	vmul.f32 v6, v24;
	v23 =	vld [tilespmem:s19+$0x2460]  }
0x90: {  	v11 =	vld.idx.msk [tilespmem:v11+s12+$0x0], $0xffff;
	v3 =	vmul.f32 v36, v25  }
0x91: {  	v12 =	vld.idx.msk [tilespmem:v12+s12+$0x0], $0xffff;
	v4 =	vmul.f32 v8, v26  }
0x92: {  	v13 =	vld.idx.msk [tilespmem:v13+s12+$0x0], $0xffff;
	v6 =	vmul.f32 v38, v27  }
0x93: {  	v14 =	vld.idx.msk [tilespmem:v14+s12+$0x0], $0xffff;
	v8 =	vmul.f32 v5, v28  }
0x94: {  	v15 =	vld.idx.msk [tilespmem:v15+s12+$0x0], $0xffff;
	v5 =	vmul.f32 v23, v29  }
0x95: {  	v16 =	vld.idx.msk [tilespmem:v16+s12+$0x0], $0xffff  }
0x96: {  	v11 =	vadd.f32 v30, v11;
	v23 =	vld.idx.msk [tilespmem:v17+s12+$0x0], $0xffff  }
0x97: {  	v17 =	vadd.f32 v31, v12;
	v12 =	vld.idx.msk [tilespmem:v10+s12+$0x0], $0xffff  }
.Ltmp0:
0x98: {  	v13 =	vadd.f32 v32, v13;
	[tilespmem:s15+$0xFFFFFF80] =	vst v11;
	v10 =	vld.idx.msk [tilespmem:v18+s12+$0x0], $0xffff;
	(pc) =	sbr.rel @p0 .LBB2_2-.Ltmp0, $4  }
0x99: {  	v14 =	vadd.f32 v33, v14;
	[tilespmem:s15+$0xFFFFFF90] =	vst v17;
	v11 =	vld.idx.msk [tilespmem:v19+s12+$0x0], $0xffff  }
0x9a: {  	v15 =	vadd.f32 v34, v15;
	[tilespmem:s15+$0xFFFFFFA0] =	vst v13;
	v13 =	vld.idx.msk [tilespmem:v20+s12+$0x0], $0xffff  }
0x9b: {  	v17 =	vadd.f32 v35, v16;
	[tilespmem:s15+$0xFFFFFFB0] =	vst v14;
	v14 =	vld.idx.msk [tilespmem:v21+s12+$0x0], $0xffff  }
0x9c: {  	s17 =	sadd.s32 $0x100, s17;
	s18 =	sadd.s32 $0x80, s18;
	v16 =	vadd.f32 v37, v23;
	[tilespmem:s15+$0xFFFFFFC0] =	vst v15;
	v15 =	vld.idx.msk [tilespmem:v22+s12+$0x0], $0xffff  }
0x9d: {  	_ =	sdelay $0x2  }
0x9e: {  	[tilespmem:s15+$0xFFFFFFD0] =	vst v17;
	v9 =	vadd.f32 v9, v12  }
0x9f: {  	v1 =	vld.idx.msk [tilespmem:v1+s12+$0x0], $0xffff;
	v7 =	vadd.f32 v7, v10;
	[tilespmem:s15+$0xFFFFFFE0] =	vst v16  }
0xa0: {  	v0 =	vld.idx.msk [tilespmem:v0+s12+$0x0], $0xffff;
	v2 =	vadd.f32 v2, v11;
	[tilespmem:s15+$0xFFFFFFF0] =	vst v9  }
0xa1: {  	[tilespmem:s15+$0x0] =	vst v7;
	v3 =	vadd.f32 v3, v13  }
0xa2: {  	[tilespmem:s15+$0x10] =	vst v2;
	v62 =	vadd.f32 v4, v14  }
0xa3: {  	[tilespmem:s15+$0x20] =	vst v3;
	v63 =	vadd.f32 v6, v15  }
0xa4: {  	[tilespmem:s15+$0x30] =	vst v62;
	v1 =	vadd.f32 v8, v1  }
0xa5: {  	s14 =	sadd.s32 $0x1, s14;
	v0 =	vadd.f32 v5, v0;
	[tilespmem:s15+$0x40] =	vst v63  }
0xa6: {  	p0 =	sne.s32 s14, s8;
	[tilespmem:s15+$0x50] =	vst v1  }
.Ltmp1:
0xa7: {  	[tilespmem:s15+$0x60] =	vst v0;
	(pc) =	sbr.rel @p0 .LBB2_1-.Ltmp1, $4  }
0xa8: {  	[hbm4b:s7+s4] =	stream.linear.scatter [tilespmem:s13], [sflag:$0x1], $0x2000, $0x38;
	[tilespmem:$0x6800] =	vst v63  }
0xa9: {  	_ =	swait.ge [sflag:s9], $0x2000  }
0xaa: {  	[sflag:s9] =	ssyncset.done $0x0  }
0xab: {  	[sflag:s9] =	ssyncadd.s32 $0xFFFFE000  }
0xac: {  	_ =	sfence.sel $0x180000  }
0xad: {  	[bflag:$0x0] =	sbarrier.arrive $0xFFFF  }
0xae: {  	p0 =	sne.s32 s3, $0x0;
	_ =	strace $0x90000047  }
0xaf: {  	s0 =	sadd.s32 @!p0 $0x100000, s0;
	[bflag:$0x2] =	sbarrier.arrive $0xFFFF  }
0xb0: {  	[sflag:s0] =	ssyncadd.tile.s32 @!p0 $0x1;
	_ =	shalt  }
.Lfunc_end2:
_tile_overlayer_lowered:
.L_overlay_start_2:
0xb1: {  	(tag) =	ssettag $0x2  }
0xb2: {  	s0 =	rddreg [dreg:$0x0];
	s2 =	stileid.u32  }
0xb3: {  	s1 =	rddreg [dreg:$0x1];
	p0 =	sne.s32 s2, $0x0  }
0xb4: {  	s3 =	rddreg [dreg:$0x2];
	[bflag:$0x3] =	sbarrier.arrive $0xFFFF;
	s2 =	simm.s32 @!p0 $0x1C01  }
0xb5: {  	[timem:s3], [sflag:s2] =	dma.local @!p0 [hbm:s0], s1  }
0xb6: {  	s0 =	simm.s32 @!p0 $0x1  }
0xb7: {  	_ =	swait.ge @!p0 [sflag:s0], s1  }
0xb8: {  	s1 =	ssub.s32 @!p0 $0x0, s1;
	[sflag:s0] =	ssyncset.done @!p0 $0x0  }
0xb9: {  	[sflag:s0] =	ssyncadd.s32 @!p0 s1  }
0xba: {  	[bflag:$0x3] =	sbarrier.arrive $0xFFFF  }
0xbb: {  	_ =	shalt  }

</sc_bundles>
